<compile_context>
chip_gen: v7x
topology: tpu7x:2x2x1
jax: 0.10.2.dev20260603
libtpu: 0.0.44.dev20260713+nightly
codegen_flags: <defaults>
</compile_context>

<pallas_src>
import functools

import jax
import jax.numpy as jnp
from jax import lax
from jax.experimental import pallas as pl
from jax.experimental.pallas import tpu as pltpu
from jax.experimental.pallas import tpu_sc as plsc

_DIM = 64
_N_EMBED = 1024
_ROWS = 16
_COLS = 1024
_TOKENS = _ROWS * _COLS
_BR = 2
_BLK = _BR * _COLS
_NUM_CHUNKS = _ROWS // _BR


def _vq_body(x_ref, e_ref, ind_ref, diff_ref, ppl_ref, et_ref):
    e = e_ref[...]
    et_ref[...] = e.T
    e_sq = jnp.sum(e * e, axis=0, keepdims=True)
    iota = jax.lax.broadcasted_iota(jnp.int32, (_BLK, _N_EMBED), 1)

    cnt = jnp.zeros((_N_EMBED,), dtype=jnp.float32)
    dsum = jnp.float32(0.0)
    for c in range(_NUM_CHUNKS):
        x = x_ref[c * _BR:(c + 1) * _BR].reshape(_BLK, _DIM)
        neg2_scores = jax.lax.dot_general(
            x * (-2.0), e, (((1,), (0,)), ((), ())),
            preferred_element_type=jnp.float32)
        x_sq = jnp.sum(x * x, axis=1, keepdims=True)
        dist = (x_sq + neg2_scores) + e_sq

        ind = jnp.argmin(dist, axis=1).astype(jnp.int32)
        onehot = (iota == ind[:, None]).astype(jnp.float32)

        ind_ref[c * _BLK:(c + 1) * _BLK] = ind

        ones = jnp.ones((1, _BLK), dtype=jnp.float32)
        cnt = cnt + jax.lax.dot_general(
            ones, onehot, (((1,), (0,)), ((), ())),
            preferred_element_type=jnp.float32)[0]
        dsum = dsum + jnp.sum(jnp.min(dist, axis=1))

    diff_ref[...] = jnp.reshape(dsum / float(_TOKENS * _DIM), (1, 1))
    p = cnt / float(_TOKENS)
    ent = jnp.sum(p * jnp.log(jnp.clip(p, 1e-7, None)), keepdims=True)
    ppl_ref[...] = jnp.exp(-ent).reshape(1, 1)


_SC_NUM_CORES = 2
_SC_NUM_SUBCORES = 16
_NW = _SC_NUM_CORES * _SC_NUM_SUBCORES
_B_PER_W = _TOKENS // _NW


@functools.lru_cache(maxsize=1)
def _build_sc_gather():
    @functools.partial(
        pl.kernel,
        mesh=plsc.VectorSubcoreMesh(
            core_axis_name="c", subcore_axis_name="s",
            num_cores=_SC_NUM_CORES, num_subcores=_SC_NUM_SUBCORES),
        out_type=jax.ShapeDtypeStruct((_TOKENS, _DIM), jnp.float32),
        scratch_types=[
            pltpu.VMEM((_B_PER_W,), jnp.int32),
            pltpu.VMEM((_B_PER_W, _DIM), jnp.float32),
            pltpu.SemaphoreType.DMA,
        ],
        compiler_params=pltpu.CompilerParams(use_tc_tiling_on_sc=False),
    )
    def _sc_gather(table_hbm, idx_hbm, out_hbm, idx_v, rows_v, sem):
        wid = lax.axis_index("s") * _SC_NUM_CORES + lax.axis_index("c")
        base = wid * _B_PER_W
        pltpu.sync_copy(idx_hbm.at[pl.ds(base, _B_PER_W)], idx_v)
        pltpu.async_copy(table_hbm.at[idx_v], rows_v, sem).wait()
        pltpu.sync_copy(rows_v, out_hbm.at[pl.ds(base, _B_PER_W)])

    return _sc_gather


@functools.partial(jax.jit, static_argnames=())
def kernel(input, embed):
    ind, diff, ppl, e_t = pl.pallas_call(
        _vq_body,
        out_shape=[
            jax.ShapeDtypeStruct((_TOKENS,), jnp.int32),
            jax.ShapeDtypeStruct((1, 1), jnp.float32),
            jax.ShapeDtypeStruct((1, 1), jnp.float32),
            jax.ShapeDtypeStruct((_N_EMBED, _DIM), jnp.float32),
        ],
    )(input, embed)
    q = _build_sc_gather()(e_t, ind)
    return (q.reshape(_ROWS, _COLS, _DIM), diff[0, 0],
            ind.reshape(_ROWS, _COLS), ppl[0, 0])

# --- scband reference (transcript-rebuilt; emitter-appended) ---
"""Pipeline reference for scband-quantize-12240656794057 (READ-ONLY COPY).

The authoritative reference and input builder live on the scoring server;
editing this copy changes nothing except your own understanding.
"""

import jax, jax.numpy as jnp
import numpy as np

DIM = 64
N_EMBED = 1024

def setup_inputs(seed: int = 0) -> dict:
    key = jax.random.key(seed)
    k1, k2 = jax.random.split(key)
    inp = jax.random.normal(k1, (16, 1024, DIM), dtype=jnp.float32)
    embed = jax.random.normal(k2, (DIM, N_EMBED), dtype=jnp.float32) * np.sqrt(1.0)
    return {"input": inp, "embed": embed}

def reference(input, embed):
    # eval-mode forward of Quantize (no EMA buffer updates, no corruption)
    flatten = input.reshape(-1, DIM)
    dist = (jnp.sum(flatten ** 2, axis=1, keepdims=True)
            - 2.0 * (flatten @ embed)
            + jnp.sum(embed ** 2, axis=0, keepdims=True))
    embed_ind = jnp.argmax(-dist, axis=1)
    embed_onehot = jax.nn.one_hot(embed_ind, N_EMBED, dtype=flatten.dtype)
    embed_ind_r = embed_ind.reshape(input.shape[:-1])
    # embed_code: F.embedding(embed_id, embed.T) -> gather rows of embed.T
    quantize = jnp.take(embed.T, embed_ind_r, axis=0)
    diff = jnp.mean((jax.lax.stop_gradient(quantize) - input) ** 2)
    quantize_st = input + jax.lax.stop_gradient(quantize - input)
    average_embedding_probas = jnp.mean(embed_onehot, axis=0)
    code_assignation_perplexity = jnp.exp(-jnp.sum(
        average_embedding_probas * jnp.log(jnp.clip(average_embedding_probas, 1e-07, None))))
    return (quantize_st, diff, embed_ind_r, code_assignation_perplexity)

if __name__ == "__main__":
    import jax
    _d = setup_inputs()
    print(jax.jit(kernel)(*tuple(_d.values())))

</pallas_src>

<mosaic_0001>
#map = affine_map<(d0, d1) -> (0, 0)>
#map1 = affine_map<(d0, d1) -> (0)>
module attributes {stable_mosaic.version = 14 : i64} {
  func.func @_sc_gather(%arg0: i32, %arg1: i32, %arg2: memref<1024x64xf32, #tpu.memory_space<hbm>>, %arg3: memref<16384xi32, #tpu.memory_space<hbm>>, %arg4: memref<16384x64xf32, #tpu.memory_space<hbm>>, %arg5: memref<512xi32, #tpu.memory_space<vmem>>, %arg6: memref<512x64xf32, #tpu.memory_space<vmem>>, %arg7: memref<!tpu.dma_semaphore, #tpu.memory_space<semaphore_mem>>) attributes {dimension_semantics = [#tpu.dimension_semantics<core_parallel>, #tpu.dimension_semantics<subcore_parallel>], iteration_bounds = array<i64: 2, 16>, scalar_prefetch = 0 : i64, scratch_operands = 3 : i64, tpu.core_type = #tpu.core_type<sc_vector_subcore>, window_params = [{transform_indices = #map}, {transform_indices = #map1}, {transform_indices = #map}]} {
    %mul3A = arith.constant 2 : i32
    %mul3A_0 = arith.muli %arg1, %mul3A : i32
    %add3A = arith.addi %mul3A_0, %arg0 : i32
    %mul3A_1 = arith.constant 512 : i32
    %mul3A_2 = arith.muli %add3A, %mul3A_1 : i32
    "tpu.region"() ({
      %run_scoped3A = tpu.sem_alloc : memref<!tpu.dma_semaphore, #tpu.memory_space<semaphore_mem>>
      %dma_start3A_7 = tpu.memref_slice %arg3[%mul3A_2] : memref<16384xi32, #tpu.memory_space<hbm>> -> memref<512xi32, #tpu.memory_space<hbm>>
      %dma_start3A_8 = tpu.memref_slice %arg3[%mul3A_2] : memref<16384xi32, #tpu.memory_space<hbm>> -> memref<512xi32, #tpu.memory_space<hbm>>
      tpu.enqueue_dma source(%dma_start3A_8 : memref<512xi32, #tpu.memory_space<hbm>>) target(%arg5 : memref<512xi32, #tpu.memory_space<vmem>>) target_semaphore(%run_scoped3A : memref<!tpu.dma_semaphore, #tpu.memory_space<semaphore_mem>>)
      %dma_wait3A_9 = tpu.memref_slice %arg3[%mul3A_2] : memref<16384xi32, #tpu.memory_space<hbm>> -> memref<512xi32, #tpu.memory_space<hbm>>
      %dma_wait3A_10 = tpu.memref_slice %arg3[%mul3A_2] : memref<16384xi32, #tpu.memory_space<hbm>> -> memref<512xi32, #tpu.memory_space<hbm>>
      tpu.wait_dma2 semaphore(%run_scoped3A : memref<!tpu.dma_semaphore, #tpu.memory_space<semaphore_mem>>) src(%dma_wait3A_10 : memref<512xi32, #tpu.memory_space<hbm>>) dst(%arg5 : memref<512xi32, #tpu.memory_space<vmem>>)
      tpu.yield
    }) : () -> ()
    %dma_start3A = arith.constant 0 : i32
    %dma_start3A_3 = arith.constant 0 : i32
    %dma_start3A_4 = tpu.memref_slice %arg2[%dma_start3A, %dma_start3A_3] : memref<1024x64xf32, #tpu.memory_space<hbm>> -> memref<1024x64xf32, #tpu.memory_space<hbm>>
    tpu.enqueue_indirect_dma source(%dma_start3A_4 : memref<1024x64xf32, #tpu.memory_space<hbm>>) target(%arg6 : memref<512x64xf32, #tpu.memory_space<vmem>>) offsets(%arg5 : memref<512xi32, #tpu.memory_space<vmem>>) semaphore(%arg7 : memref<!tpu.dma_semaphore, #tpu.memory_space<semaphore_mem>>)
    %dma_wait3A = arith.constant 0 : i32
    %dma_wait3A_5 = arith.constant 0 : i32
    %dma_wait3A_6 = tpu.memref_slice %arg2[%dma_wait3A, %dma_wait3A_5] : memref<1024x64xf32, #tpu.memory_space<hbm>> -> memref<1024x64xf32, #tpu.memory_space<hbm>>
    tpu.wait_indirect_dma semaphore(%arg7 : memref<!tpu.dma_semaphore, #tpu.memory_space<semaphore_mem>>) src(%dma_wait3A_6 : memref<1024x64xf32, #tpu.memory_space<hbm>>) dst(%arg6 : memref<512x64xf32, #tpu.memory_space<vmem>>)
    "tpu.region"() ({
      %run_scoped3A = tpu.sem_alloc : memref<!tpu.dma_semaphore, #tpu.memory_space<semaphore_mem>>
      %dma_start3A_7 = arith.constant 0 : i32
      %dma_start3A_8 = tpu.memref_slice %arg4[%mul3A_2, %dma_start3A_7] : memref<16384x64xf32, #tpu.memory_space<hbm>> -> memref<512x64xf32, #tpu.memory_space<hbm>>
      %dma_start3A_9 = arith.constant 0 : i32
      %dma_start3A_10 = tpu.memref_slice %arg4[%mul3A_2, %dma_start3A_9] : memref<16384x64xf32, #tpu.memory_space<hbm>> -> memref<512x64xf32, #tpu.memory_space<hbm>>
      tpu.enqueue_dma source(%arg6 : memref<512x64xf32, #tpu.memory_space<vmem>>) target(%dma_start3A_10 : memref<512x64xf32, #tpu.memory_space<hbm>>) target_semaphore(%run_scoped3A : memref<!tpu.dma_semaphore, #tpu.memory_space<semaphore_mem>>)
      %dma_wait3A_11 = arith.constant 0 : i32
      %dma_wait3A_12 = tpu.memref_slice %arg4[%mul3A_2, %dma_wait3A_11] : memref<16384x64xf32, #tpu.memory_space<hbm>> -> memref<512x64xf32, #tpu.memory_space<hbm>>
      %dma_wait3A_13 = arith.constant 0 : i32
      %dma_wait3A_14 = tpu.memref_slice %arg4[%mul3A_2, %dma_wait3A_13] : memref<16384x64xf32, #tpu.memory_space<hbm>> -> memref<512x64xf32, #tpu.memory_space<hbm>>
      tpu.wait_dma2 semaphore(%run_scoped3A : memref<!tpu.dma_semaphore, #tpu.memory_space<semaphore_mem>>) src(%arg6 : memref<512x64xf32, #tpu.memory_space<vmem>>) dst(%dma_wait3A_14 : memref<512x64xf32, #tpu.memory_space<hbm>>)
      tpu.yield
    }) : () -> ()
    return
  }
}

module attributes {stable_mosaic.version = 14 : i64} {
  func.func @_vq_body(%arg0: memref<16x1024x64xf32, #tpu.memory_space<vmem>>, %arg1: memref<64x1024xf32, #tpu.memory_space<vmem>>, %arg2: memref<16384xi32, #tpu.memory_space<vmem>>, %arg3: memref<1x1xf32, #tpu.memory_space<vmem>>, %arg4: memref<1x1xf32, #tpu.memory_space<vmem>>, %arg5: memref<1024x64xf32, #tpu.memory_space<vmem>>) attributes {dimension_semantics = [], scalar_prefetch = 0 : i64, scratch_operands = 0 : i64, tpu.core_type = #tpu.core_type<tc>} {
    %get3A = arith.constant 0 : index
    %get3A_0 = arith.constant 0 : index
    %get3A_1 = vector.load %arg1[%get3A, %get3A_0] : memref<64x1024xf32, #tpu.memory_space<vmem>>, vector<64x1024xf32>
    %transpose3A = tpu.transpose %get3A_1, [1, 0] : vector<64x1024xf32> -> vector<1024x64xf32>
    %swap3A = arith.constant 0 : index
    %swap3A_2 = arith.constant 0 : index
    %swap3A_3 = vector.load %arg5[%swap3A, %swap3A_2] : memref<1024x64xf32, #tpu.memory_space<vmem>>, vector<1024x64xf32>
    tpu.vector_store %arg5[%swap3A, %swap3A_2], %transpose3A {strides = array<i32>} : memref<1024x64xf32, #tpu.memory_space<vmem>>, vector<1024x64xf32>,
    %mul3A = arith.mulf %get3A_1, %get3A_1 : vector<64x1024xf32>
    %reduce_sum3A = arith.constant dense<0.000000e+00> : vector<1024xf32>
    %reduce_sum3A_4 = vector.multi_reduction <add>, %mul3A, %reduce_sum3A [0] : vector<64x1024xf32> to vector<1024xf32>
    %broadcast_in_dim3A = vector.shape_cast %reduce_sum3A_4 : vector<1024xf32> to vector<1x1024xf32>
    %iota3A = tpu.iota {dimensions = array<i32: 1>} : vector<2048x1024xi32>
    %broadcast_in_dim3A_5 = arith.constant 0.000000e+00 : f32
    %broadcast_in_dim3A_6 = vector.broadcast %broadcast_in_dim3A_5 : f32 to vector<1024xf32>
    %get3A_7 = arith.constant 0 : index
    %get3A_8 = arith.constant 0 : index
    %get3A_9 = arith.constant 0 : index
    %get3A_10 = vector.load %arg0[%get3A_7, %get3A_8, %get3A_9] : memref<16x1024x64xf32, #tpu.memory_space<vmem>>, vector<2x1024x64xf32>
    %reshape3A = vector.shape_cast %get3A_10 : vector<2x1024x64xf32> to vector<2048x64xf32>
    %mul3A_11 = arith.constant -2.000000e+00 : f32
    %mul3A_12 = vector.broadcast %mul3A_11 : f32 to vector<2048x64xf32>
    %mul3A_13 = arith.mulf %reshape3A, %mul3A_12 : vector<2048x64xf32>
    %dot_general3A = arith.constant dense<0.000000e+00> : vector<2048x1024xf32>
    %dot_general3A_14 = tpu.matmul %mul3A_13, %get3A_1, %dot_general3A {dimension_numbers = #tpu.dot_dimension_numbers<[1], [0], [0], [1], [0, 0, 1, 1], [], []>, transpose_lhs_hint = false} : vector<2048x64xf32>, vector<64x1024xf32>, vector<2048x1024xf32> -> vector<2048x1024xf32>
    %mul3A_15 = arith.mulf %reshape3A, %reshape3A : vector<2048x64xf32>
    %reduce_sum3A_16 = arith.constant dense<0.000000e+00> : vector<2048xf32>
    %reduce_sum3A_17 = vector.multi_reduction <add>, %mul3A_15, %reduce_sum3A_16 [1] : vector<2048x64xf32> to vector<2048xf32>
    %broadcast_in_dim3A_18 = vector.shape_cast %reduce_sum3A_17 : vector<2048xf32> to vector<2048x1xf32>
    %add3A = vector.broadcast %broadcast_in_dim3A_18 : vector<2048x1xf32> to vector<2048x1024xf32>
    %add3A_19 = arith.addf %add3A, %dot_general3A_14 : vector<2048x1024xf32>
    %add3A_20 = vector.broadcast %broadcast_in_dim3A : vector<1x1024xf32> to vector<2048x1024xf32>
    %add3A_21 = arith.addf %add3A_19, %add3A_20 : vector<2048x1024xf32>
    %argmin3A = tpu.reduce_index %add3A_21 {axis = 1 : i32, kind = #tpu.reduction_kind<arg_min>} : vector<2048x1024xf32> -> vector<2048xi32>
    %broadcast_in_dim3A_22 = vector.shape_cast %argmin3A : vector<2048xi32> to vector<2048x1xi32>
    %eq3A = vector.broadcast %broadcast_in_dim3A_22 : vector<2048x1xi32> to vector<2048x1024xi32>
    %eq3A_23 = arith.cmpi eq, %iota3A, %eq3A : vector<2048x1024xi32>
    %convert_element_type3A = arith.extui %eq3A_23 : vector<2048x1024xi1> to vector<2048x1024xi32>
    %convert_element_type3A_24 = arith.sitofp %convert_element_type3A : vector<2048x1024xi32> to vector<2048x1024xf32>
    %swap3A_25 = arith.constant 0 : index
    %swap3A_26 = vector.load %arg2[%swap3A_25] : memref<16384xi32, #tpu.memory_space<vmem>>, vector<2048xi32>
    tpu.vector_store %arg2[%swap3A_25], %argmin3A {strides = array<i32>} : memref<16384xi32, #tpu.memory_space<vmem>>, vector<2048xi32>,
    %broadcast_in_dim3A_27 = arith.constant 1.000000e+00 : f32
    %broadcast_in_dim3A_28 = vector.broadcast %broadcast_in_dim3A_27 : f32 to vector<1x2048xf32>
    %dot_general3A_29 = arith.constant dense<0.000000e+00> : vector<1x1024xf32>
    %dot_general3A_30 = tpu.matmul %broadcast_in_dim3A_28, %convert_element_type3A_24, %dot_general3A_29 {dimension_numbers = #tpu.dot_dimension_numbers<[1], [0], [0], [1], [0, 0, 1, 1], [], []>, transpose_lhs_hint = false} : vector<1x2048xf32>, vector<2048x1024xf32>, vector<1x1024xf32> -> vector<1x1024xf32>
    %squeeze3A = vector.shape_cast %dot_general3A_30 : vector<1x1024xf32> to vector<1024xf32>
    %add3A_31 = arith.addf %broadcast_in_dim3A_6, %squeeze3A : vector<1024xf32>
    %reduce_min3A = arith.constant dense<0x7F800000> : vector<2048xf32>
    %reduce_min3A_32 = vector.multi_reduction <minimumf>, %add3A_21, %reduce_min3A [1] : vector<2048x1024xf32> to vector<2048xf32>
    %reduce_sum3A_33 = vector.shape_cast %reduce_min3A_32 : vector<2048xf32> to vector<1x2048xf32>
    %reduce_sum3A_34 = arith.constant dense<0.000000e+00> : vector<1xf32>
    %reduce_sum3A_35 = vector.multi_reduction <add>, %reduce_sum3A_33, %reduce_sum3A_34 [1] : vector<1x2048xf32> to vector<1xf32>
    %reduce_sum3A_36 = vector.shape_cast %reduce_sum3A_35 : vector<1xf32> to vector<1x1xf32>
    %reduce_sum3A_37 = vector.extract %reduce_sum3A_36[0, 0] : f32 from vector<1x1xf32>
    %add3A_38 = arith.constant 0.000000e+00 : f32
    %add3A_39 = arith.addf %add3A_38, %reduce_sum3A_37 : f32
    %get3A_40 = arith.constant 2 : index
    %get3A_41 = arith.constant 0 : index
    %get3A_42 = arith.constant 0 : index
    %get3A_43 = vector.load %arg0[%get3A_40, %get3A_41, %get3A_42] : memref<16x1024x64xf32, #tpu.memory_space<vmem>>, vector<2x1024x64xf32>
    %reshape3A_44 = vector.shape_cast %get3A_43 : vector<2x1024x64xf32> to vector<2048x64xf32>
    %mul3A_45 = arith.constant -2.000000e+00 : f32
    %mul3A_46 = vector.broadcast %mul3A_45 : f32 to vector<2048x64xf32>
    %mul3A_47 = arith.mulf %reshape3A_44, %mul3A_46 : vector<2048x64xf32>
    %dot_general3A_48 = arith.constant dense<0.000000e+00> : vector<2048x1024xf32>
    %dot_general3A_49 = tpu.matmul %mul3A_47, %get3A_1, %dot_general3A_48 {dimension_numbers = #tpu.dot_dimension_numbers<[1], [0], [0], [1], [0, 0, 1, 1], [], []>, transpose_lhs_hint = false} : vector<2048x64xf32>, vector<64x1024xf32>, vector<2048x1024xf32> -> vector<2048x1024xf32>
    %mul3A_50 = arith.mulf %reshape3A_44, %reshape3A_44 : vector<2048x64xf32>
    %reduce_sum3A_51 = arith.constant dense<0.000000e+00> : vector<2048xf32>
    %reduce_sum3A_52 = vector.multi_reduction <add>, %mul3A_50, %reduce_sum3A_51 [1] : vector<2048x64xf32> to vector<2048xf32>
    %broadcast_in_dim3A_53 = vector.shape_cast %reduce_sum3A_52 : vector<2048xf32> to vector<2048x1xf32>
    %add3A_54 = vector.broadcast %broadcast_in_dim3A_53 : vector<2048x1xf32> to vector<2048x1024xf32>
    %add3A_55 = arith.addf %add3A_54, %dot_general3A_49 : vector<2048x1024xf32>
    %add3A_56 = vector.broadcast %broadcast_in_dim3A : vector<1x1024xf32> to vector<2048x1024xf32>
    %add3A_57 = arith.addf %add3A_55, %add3A_56 : vector<2048x1024xf32>
    %argmin3A_58 = tpu.reduce_index %add3A_57 {axis = 1 : i32, kind = #tpu.reduction_kind<arg_min>} : vector<2048x1024xf32> -> vector<2048xi32>
    %broadcast_in_dim3A_59 = vector.shape_cast %argmin3A_58 : vector<2048xi32> to vector<2048x1xi32>
    %eq3A_60 = vector.broadcast %broadcast_in_dim3A_59 : vector<2048x1xi32> to vector<2048x1024xi32>
    %eq3A_61 = arith.cmpi eq, %iota3A, %eq3A_60 : vector<2048x1024xi32>
    %convert_element_type3A_62 = arith.extui %eq3A_61 : vector<2048x1024xi1> to vector<2048x1024xi32>
    %convert_element_type3A_63 = arith.sitofp %convert_element_type3A_62 : vector<2048x1024xi32> to vector<2048x1024xf32>
    %swap3A_64 = arith.constant 2048 : index
    %swap3A_65 = vector.load %arg2[%swap3A_64] : memref<16384xi32, #tpu.memory_space<vmem>>, vector<2048xi32>
    tpu.vector_store %arg2[%swap3A_64], %argmin3A_58 {strides = array<i32>} : memref<16384xi32, #tpu.memory_space<vmem>>, vector<2048xi32>,
    %broadcast_in_dim3A_66 = arith.constant 1.000000e+00 : f32
    %broadcast_in_dim3A_67 = vector.broadcast %broadcast_in_dim3A_66 : f32 to vector<1x2048xf32>
    %dot_general3A_68 = arith.constant dense<0.000000e+00> : vector<1x1024xf32>
    %dot_general3A_69 = tpu.matmul %broadcast_in_dim3A_67, %convert_element_type3A_63, %dot_general3A_68 {dimension_numbers = #tpu.dot_dimension_numbers<[1], [0], [0], [1], [0, 0, 1, 1], [], []>, transpose_lhs_hint = false} : vector<1x2048xf32>, vector<2048x1024xf32>, vector<1x1024xf32> -> vector<1x1024xf32>
    %squeeze3A_70 = vector.shape_cast %dot_general3A_69 : vector<1x1024xf32> to vector<1024xf32>
    %add3A_71 = arith.addf %add3A_31, %squeeze3A_70 : vector<1024xf32>
    %reduce_min3A_72 = arith.constant dense<0x7F800000> : vector<2048xf32>
    %reduce_min3A_73 = vector.multi_reduction <minimumf>, %add3A_57, %reduce_min3A_72 [1] : vector<2048x1024xf32> to vector<2048xf32>
    %reduce_sum3A_74 = vector.shape_cast %reduce_min3A_73 : vector<2048xf32> to vector<1x2048xf32>
    %reduce_sum3A_75 = arith.constant dense<0.000000e+00> : vector<1xf32>
    %reduce_sum3A_76 = vector.multi_reduction <add>, %reduce_sum3A_74, %reduce_sum3A_75 [1] : vector<1x2048xf32> to vector<1xf32>
    %reduce_sum3A_77 = vector.shape_cast %reduce_sum3A_76 : vector<1xf32> to vector<1x1xf32>
    %reduce_sum3A_78 = vector.extract %reduce_sum3A_77[0, 0] : f32 from vector<1x1xf32>
    %add3A_79 = arith.addf %add3A_39, %reduce_sum3A_78 : f32
    %get3A_80 = arith.constant 4 : index
    %get3A_81 = arith.constant 0 : index
    %get3A_82 = arith.constant 0 : index
    %get3A_83 = vector.load %arg0[%get3A_80, %get3A_81, %get3A_82] : memref<16x1024x64xf32, #tpu.memory_space<vmem>>, vector<2x1024x64xf32>
    %reshape3A_84 = vector.shape_cast %get3A_83 : vector<2x1024x64xf32> to vector<2048x64xf32>
    %mul3A_85 = arith.constant -2.000000e+00 : f32
    %mul3A_86 = vector.broadcast %mul3A_85 : f32 to vector<2048x64xf32>
    %mul3A_87 = arith.mulf %reshape3A_84, %mul3A_86 : vector<2048x64xf32>
    %dot_general3A_88 = arith.constant dense<0.000000e+00> : vector<2048x1024xf32>
    %dot_general3A_89 = tpu.matmul %mul3A_87, %get3A_1, %dot_general3A_88 {dimension_numbers = #tpu.dot_dimension_numbers<[1], [0], [0], [1], [0, 0, 1, 1], [], []>, transpose_lhs_hint = false} : vector<2048x64xf32>, vector<64x1024xf32>, vector<2048x1024xf32> -> vector<2048x1024xf32>
    %mul3A_90 = arith.mulf %reshape3A_84, %reshape3A_84 : vector<2048x64xf32>
    %reduce_sum3A_91 = arith.constant dense<0.000000e+00> : vector<2048xf32>
    %reduce_sum3A_92 = vector.multi_reduction <add>, %mul3A_90, %reduce_sum3A_91 [1] : vector<2048x64xf32> to vector<2048xf32>
    %broadcast_in_dim3A_93 = vector.shape_cast %reduce_sum3A_92 : vector<2048xf32> to vector<2048x1xf32>
    %add3A_94 = vector.broadcast %broadcast_in_dim3A_93 : vector<2048x1xf32> to vector<2048x1024xf32>
    %add3A_95 = arith.addf %add3A_94, %dot_general3A_89 : vector<2048x1024xf32>
    %add3A_96 = vector.broadcast %broadcast_in_dim3A : vector<1x1024xf32> to vector<2048x1024xf32>
    %add3A_97 = arith.addf %add3A_95, %add3A_96 : vector<2048x1024xf32>
    %argmin3A_98 = tpu.reduce_index %add3A_97 {axis = 1 : i32, kind = #tpu.reduction_kind<arg_min>} : vector<2048x1024xf32> -> vector<2048xi32>
    %broadcast_in_dim3A_99 = vector.shape_cast %argmin3A_98 : vector<2048xi32> to vector<2048x1xi32>
    %eq3A_100 = vector.broadcast %broadcast_in_dim3A_99 : vector<2048x1xi32> to vector<2048x1024xi32>
    %eq3A_101 = arith.cmpi eq, %iota3A, %eq3A_100 : vector<2048x1024xi32>
    %convert_element_type3A_102 = arith.extui %eq3A_101 : vector<2048x1024xi1> to vector<2048x1024xi32>
    %convert_element_type3A_103 = arith.sitofp %convert_element_type3A_102 : vector<2048x1024xi32> to vector<2048x1024xf32>
    %swap3A_104 = arith.constant 4096 : index
    %swap3A_105 = vector.load %arg2[%swap3A_104] : memref<16384xi32, #tpu.memory_space<vmem>>, vector<2048xi32>
    tpu.vector_store %arg2[%swap3A_104], %argmin3A_98 {strides = array<i32>} : memref<16384xi32, #tpu.memory_space<vmem>>, vector<2048xi32>,
    %broadcast_in_dim3A_106 = arith.constant 1.000000e+00 : f32
    %broadcast_in_dim3A_107 = vector.broadcast %broadcast_in_dim3A_106 : f32 to vector<1x2048xf32>
    %dot_general3A_108 = arith.constant dense<0.000000e+00> : vector<1x1024xf32>
    %dot_general3A_109 = tpu.matmul %broadcast_in_dim3A_107, %convert_element_type3A_103, %dot_general3A_108 {dimension_numbers = #tpu.dot_dimension_numbers<[1], [0], [0], [1], [0, 0, 1, 1], [], []>, transpose_lhs_hint = false} : vector<1x2048xf32>, vector<2048x1024xf32>, vector<1x1024xf32> -> vector<1x1024xf32>
    %squeeze3A_110 = vector.shape_cast %dot_general3A_109 : vector<1x1024xf32> to vector<1024xf32>
    %add3A_111 = arith.addf %add3A_71, %squeeze3A_110 : vector<1024xf32>
    %reduce_min3A_112 = arith.constant dense<0x7F800000> : vector<2048xf32>
    %reduce_min3A_113 = vector.multi_reduction <minimumf>, %add3A_97, %reduce_min3A_112 [1] : vector<2048x1024xf32> to vector<2048xf32>
    %reduce_sum3A_114 = vector.shape_cast %reduce_min3A_113 : vector<2048xf32> to vector<1x2048xf32>
    %reduce_sum3A_115 = arith.constant dense<0.000000e+00> : vector<1xf32>
    %reduce_sum3A_116 = vector.multi_reduction <add>, %reduce_sum3A_114, %reduce_sum3A_115 [1] : vector<1x2048xf32> to vector<1xf32>
    %reduce_sum3A_117 = vector.shape_cast %reduce_sum3A_116 : vector<1xf32> to vector<1x1xf32>
    %reduce_sum3A_118 = vector.extract %reduce_sum3A_117[0, 0] : f32 from vector<1x1xf32>
    %add3A_119 = arith.addf %add3A_79, %reduce_sum3A_118 : f32
    %get3A_120 = arith.constant 6 : index
    %get3A_121 = arith.constant 0 : index
    %get3A_122 = arith.constant 0 : index
    %get3A_123 = vector.load %arg0[%get3A_120, %get3A_121, %get3A_122] : memref<16x1024x64xf32, #tpu.memory_space<vmem>>, vector<2x1024x64xf32>
    %reshape3A_124 = vector.shape_cast %get3A_123 : vector<2x1024x64xf32> to vector<2048x64xf32>
    %mul3A_125 = arith.constant -2.000000e+00 : f32
    %mul3A_126 = vector.broadcast %mul3A_125 : f32 to vector<2048x64xf32>
    %mul3A_127 = arith.mulf %reshape3A_124, %mul3A_126 : vector<2048x64xf32>
    %dot_general3A_128 = arith.constant dense<0.000000e+00> : vector<2048x1024xf32>
    %dot_general3A_129 = tpu.matmul %mul3A_127, %get3A_1, %dot_general3A_128 {dimension_numbers = #tpu.dot_dimension_numbers<[1], [0], [0], [1], [0, 0, 1, 1], [], []>, transpose_lhs_hint = false} : vector<2048x64xf32>, vector<64x1024xf32>, vector<2048x1024xf32> -> vector<2048x1024xf32>
    %mul3A_130 = arith.mulf %reshape3A_124, %reshape3A_124 : vector<2048x64xf32>
    %reduce_sum3A_131 = arith.constant dense<0.000000e+00> : vector<2048xf32>
    %reduce_sum3A_132 = vector.multi_reduction <add>, %mul3A_130, %reduce_sum3A_131 [1] : vector<2048x64xf32> to vector<2048xf32>
    %broadcast_in_dim3A_133 = vector.shape_cast %reduce_sum3A_132 : vector<2048xf32> to vector<2048x1xf32>
    %add3A_134 = vector.broadcast %broadcast_in_dim3A_133 : vector<2048x1xf32> to vector<2048x1024xf32>
    %add3A_135 = arith.addf %add3A_134, %dot_general3A_129 : vector<2048x1024xf32>
    %add3A_136 = vector.broadcast %broadcast_in_dim3A : vector<1x1024xf32> to vector<2048x1024xf32>
    %add3A_137 = arith.addf %add3A_135, %add3A_136 : vector<2048x1024xf32>
    %argmin3A_138 = tpu.reduce_index %add3A_137 {axis = 1 : i32, kind = #tpu.reduction_kind<arg_min>} : vector<2048x1024xf32> -> vector<2048xi32>
    %broadcast_in_dim3A_139 = vector.shape_cast %argmin3A_138 : vector<2048xi32> to vector<2048x1xi32>
    %eq3A_140 = vector.broadcast %broadcast_in_dim3A_139 : vector<2048x1xi32> to vector<2048x1024xi32>
    %eq3A_141 = arith.cmpi eq, %iota3A, %eq3A_140 : vector<2048x1024xi32>
    %convert_element_type3A_142 = arith.extui %eq3A_141 : vector<2048x1024xi1> to vector<2048x1024xi32>
    %convert_element_type3A_143 = arith.sitofp %convert_element_type3A_142 : vector<2048x1024xi32> to vector<2048x1024xf32>
    %swap3A_144 = arith.constant 6144 : index
    %swap3A_145 = vector.load %arg2[%swap3A_144] : memref<16384xi32, #tpu.memory_space<vmem>>, vector<2048xi32>
    tpu.vector_store %arg2[%swap3A_144], %argmin3A_138 {strides = array<i32>} : memref<16384xi32, #tpu.memory_space<vmem>>, vector<2048xi32>,
    %broadcast_in_dim3A_146 = arith.constant 1.000000e+00 : f32
    %broadcast_in_dim3A_147 = vector.broadcast %broadcast_in_dim3A_146 : f32 to vector<1x2048xf32>
    %dot_general3A_148 = arith.constant dense<0.000000e+00> : vector<1x1024xf32>
    %dot_general3A_149 = tpu.matmul %broadcast_in_dim3A_147, %convert_element_type3A_143, %dot_general3A_148 {dimension_numbers = #tpu.dot_dimension_numbers<[1], [0], [0], [1], [0, 0, 1, 1], [], []>, transpose_lhs_hint = false} : vector<1x2048xf32>, vector<2048x1024xf32>, vector<1x1024xf32> -> vector<1x1024xf32>
    %squeeze3A_150 = vector.shape_cast %dot_general3A_149 : vector<1x1024xf32> to vector<1024xf32>
    %add3A_151 = arith.addf %add3A_111, %squeeze3A_150 : vector<1024xf32>
    %reduce_min3A_152 = arith.constant dense<0x7F800000> : vector<2048xf32>
    %reduce_min3A_153 = vector.multi_reduction <minimumf>, %add3A_137, %reduce_min3A_152 [1] : vector<2048x1024xf32> to vector<2048xf32>
    %reduce_sum3A_154 = vector.shape_cast %reduce_min3A_153 : vector<2048xf32> to vector<1x2048xf32>
    %reduce_sum3A_155 = arith.constant dense<0.000000e+00> : vector<1xf32>
    %reduce_sum3A_156 = vector.multi_reduction <add>, %reduce_sum3A_154, %reduce_sum3A_155 [1] : vector<1x2048xf32> to vector<1xf32>
    %reduce_sum3A_157 = vector.shape_cast %reduce_sum3A_156 : vector<1xf32> to vector<1x1xf32>
    %reduce_sum3A_158 = vector.extract %reduce_sum3A_157[0, 0] : f32 from vector<1x1xf32>
    %add3A_159 = arith.addf %add3A_119, %reduce_sum3A_158 : f32
    %get3A_160 = arith.constant 8 : index
    %get3A_161 = arith.constant 0 : index
    %get3A_162 = arith.constant 0 : index
    %get3A_163 = vector.load %arg0[%get3A_160, %get3A_161, %get3A_162] : memref<16x1024x64xf32, #tpu.memory_space<vmem>>, vector<2x1024x64xf32>
    %reshape3A_164 = vector.shape_cast %get3A_163 : vector<2x1024x64xf32> to vector<2048x64xf32>
    %mul3A_165 = arith.constant -2.000000e+00 : f32
    %mul3A_166 = vector.broadcast %mul3A_165 : f32 to vector<2048x64xf32>
    %mul3A_167 = arith.mulf %reshape3A_164, %mul3A_166 : vector<2048x64xf32>
    %dot_general3A_168 = arith.constant dense<0.000000e+00> : vector<2048x1024xf32>
    %dot_general3A_169 = tpu.matmul %mul3A_167, %get3A_1, %dot_general3A_168 {dimension_numbers = #tpu.dot_dimension_numbers<[1], [0], [0], [1], [0, 0, 1, 1], [], []>, transpose_lhs_hint = false} : vector<2048x64xf32>, vector<64x1024xf32>, vector<2048x1024xf32> -> vector<2048x1024xf32>
    %mul3A_170 = arith.mulf %reshape3A_164, %reshape3A_164 : vector<2048x64xf32>
    %reduce_sum3A_171 = arith.constant dense<0.000000e+00> : vector<2048xf32>
    %reduce_sum3A_172 = vector.multi_reduction <add>, %mul3A_170, %reduce_sum3A_171 [1] : vector<2048x64xf32> to vector<2048xf32>
    %broadcast_in_dim3A_173 = vector.shape_cast %reduce_sum3A_172 : vector<2048xf32> to vector<2048x1xf32>
    %add3A_174 = vector.broadcast %broadcast_in_dim3A_173 : vector<2048x1xf32> to vector<2048x1024xf32>
    %add3A_175 = arith.addf %add3A_174, %dot_general3A_169 : vector<2048x1024xf32>
    %add3A_176 = vector.broadcast %broadcast_in_dim3A : vector<1x1024xf32> to vector<2048x1024xf32>
    %add3A_177 = arith.addf %add3A_175, %add3A_176 : vector<2048x1024xf32>
    %argmin3A_178 = tpu.reduce_index %add3A_177 {axis = 1 : i32, kind = #tpu.reduction_kind<arg_min>} : vector<2048x1024xf32> -> vector<2048xi32>
    %broadcast_in_dim3A_179 = vector.shape_cast %argmin3A_178 : vector<2048xi32> to vector<2048x1xi32>
    %eq3A_180 = vector.broadcast %broadcast_in_dim3A_179 : vector<2048x1xi32> to vector<2048x1024xi32>
    %eq3A_181 = arith.cmpi eq, %iota3A, %eq3A_180 : vector<2048x1024xi32>
    %convert_element_type3A_182 = arith.extui %eq3A_181 : vector<2048x1024xi1> to vector<2048x1024xi32>
    %convert_element_type3A_183 = arith.sitofp %convert_element_type3A_182 : vector<2048x1024xi32> to vector<2048x1024xf32>
    %swap3A_184 = arith.constant 8192 : index
    %swap3A_185 = vector.load %arg2[%swap3A_184] : memref<16384xi32, #tpu.memory_space<vmem>>, vector<2048xi32>
    tpu.vector_store %arg2[%swap3A_184], %argmin3A_178 {strides = array<i32>} : memref<16384xi32, #tpu.memory_space<vmem>>, vector<2048xi32>,
    %broadcast_in_dim3A_186 = arith.constant 1.000000e+00 : f32
    %broadcast_in_dim3A_187 = vector.broadcast %broadcast_in_dim3A_186 : f32 to vector<1x2048xf32>
    %dot_general3A_188 = arith.constant dense<0.000000e+00> : vector<1x1024xf32>
    %dot_general3A_189 = tpu.matmul %broadcast_in_dim3A_187, %convert_element_type3A_183, %dot_general3A_188 {dimension_numbers = #tpu.dot_dimension_numbers<[1], [0], [0], [1], [0, 0, 1, 1], [], []>, transpose_lhs_hint = false} : vector<1x2048xf32>, vector<2048x1024xf32>, vector<1x1024xf32> -> vector<1x1024xf32>
    %squeeze3A_190 = vector.shape_cast %dot_general3A_189 : vector<1x1024xf32> to vector<1024xf32>
    %add3A_191 = arith.addf %add3A_151, %squeeze3A_190 : vector<1024xf32>
    %reduce_min3A_192 = arith.constant dense<0x7F800000> : vector<2048xf32>
    %reduce_min3A_193 = vector.multi_reduction <minimumf>, %add3A_177, %reduce_min3A_192 [1] : vector<2048x1024xf32> to vector<2048xf32>
    %reduce_sum3A_194 = vector.shape_cast %reduce_min3A_193 : vector<2048xf32> to vector<1x2048xf32>
    %reduce_sum3A_195 = arith.constant dense<0.000000e+00> : vector<1xf32>
    %reduce_sum3A_196 = vector.multi_reduction <add>, %reduce_sum3A_194, %reduce_sum3A_195 [1] : vector<1x2048xf32> to vector<1xf32>
    %reduce_sum3A_197 = vector.shape_cast %reduce_sum3A_196 : vector<1xf32> to vector<1x1xf32>
    %reduce_sum3A_198 = vector.extract %reduce_sum3A_197[0, 0] : f32 from vector<1x1xf32>
    %add3A_199 = arith.addf %add3A_159, %reduce_sum3A_198 : f32
    %get3A_200 = arith.constant 10 : index
    %get3A_201 = arith.constant 0 : index
    %get3A_202 = arith.constant 0 : index
    %get3A_203 = vector.load %arg0[%get3A_200, %get3A_201, %get3A_202] : memref<16x1024x64xf32, #tpu.memory_space<vmem>>, vector<2x1024x64xf32>
    %reshape3A_204 = vector.shape_cast %get3A_203 : vector<2x1024x64xf32> to vector<2048x64xf32>
    %mul3A_205 = arith.constant -2.000000e+00 : f32
    %mul3A_206 = vector.broadcast %mul3A_205 : f32 to vector<2048x64xf32>
    %mul3A_207 = arith.mulf %reshape3A_204, %mul3A_206 : vector<2048x64xf32>
    %dot_general3A_208 = arith.constant dense<0.000000e+00> : vector<2048x1024xf32>
    %dot_general3A_209 = tpu.matmul %mul3A_207, %get3A_1, %dot_general3A_208 {dimension_numbers = #tpu.dot_dimension_numbers<[1], [0], [0], [1], [0, 0, 1, 1], [], []>, transpose_lhs_hint = false} : vector<2048x64xf32>, vector<64x1024xf32>, vector<2048x1024xf32> -> vector<2048x1024xf32>
    %mul3A_210 = arith.mulf %reshape3A_204, %reshape3A_204 : vector<2048x64xf32>
    %reduce_sum3A_211 = arith.constant dense<0.000000e+00> : vector<2048xf32>
    %reduce_sum3A_212 = vector.multi_reduction <add>, %mul3A_210, %reduce_sum3A_211 [1] : vector<2048x64xf32> to vector<2048xf32>
    %broadcast_in_dim3A_213 = vector.shape_cast %reduce_sum3A_212 : vector<2048xf32> to vector<2048x1xf32>
    %add3A_214 = vector.broadcast %broadcast_in_dim3A_213 : vector<2048x1xf32> to vector<2048x1024xf32>
    %add3A_215 = arith.addf %add3A_214, %dot_general3A_209 : vector<2048x1024xf32>
    %add3A_216 = vector.broadcast %broadcast_in_dim3A : vector<1x1024xf32> to vector<2048x1024xf32>
    %add3A_217 = arith.addf %add3A_215, %add3A_216 : vector<2048x1024xf32>
    %argmin3A_218 = tpu.reduce_index %add3A_217 {axis = 1 : i32, kind = #tpu.reduction_kind<arg_min>} : vector<2048x1024xf32> -> vector<2048xi32>
    %broadcast_in_dim3A_219 = vector.shape_cast %argmin3A_218 : vector<2048xi32> to vector<2048x1xi32>
    %eq3A_220 = vector.broadcast %broadcast_in_dim3A_219 : vector<2048x1xi32> to vector<2048x1024xi32>
    %eq3A_221 = arith.cmpi eq, %iota3A, %eq3A_220 : vector<2048x1024xi32>
    %convert_element_type3A_222 = arith.extui %eq3A_221 : vector<2048x1024xi1> to vector<2048x1024xi32>
    %convert_element_type3A_223 = arith.sitofp %convert_element_type3A_222 : vector<2048x1024xi32> to vector<2048x1024xf32>
    %swap3A_224 = arith.constant 10240 : index
    %swap3A_225 = vector.load %arg2[%swap3A_224] : memref<16384xi32, #tpu.memory_space<vmem>>, vector<2048xi32>
    tpu.vector_store %arg2[%swap3A_224], %argmin3A_218 {strides = array<i32>} : memref<16384xi32, #tpu.memory_space<vmem>>, vector<2048xi32>,
    %broadcast_in_dim3A_226 = arith.constant 1.000000e+00 : f32
    %broadcast_in_dim3A_227 = vector.broadcast %broadcast_in_dim3A_226 : f32 to vector<1x2048xf32>
    %dot_general3A_228 = arith.constant dense<0.000000e+00> : vector<1x1024xf32>
    %dot_general3A_229 = tpu.matmul %broadcast_in_dim3A_227, %convert_element_type3A_223, %dot_general3A_228 {dimension_numbers = #tpu.dot_dimension_numbers<[1], [0], [0], [1], [0, 0, 1, 1], [], []>, transpose_lhs_hint = false} : vector<1x2048xf32>, vector<2048x1024xf32>, vector<1x1024xf32> -> vector<1x1024xf32>
    %squeeze3A_230 = vector.shape_cast %dot_general3A_229 : vector<1x1024xf32> to vector<1024xf32>
    %add3A_231 = arith.addf %add3A_191, %squeeze3A_230 : vector<1024xf32>
    %reduce_min3A_232 = arith.constant dense<0x7F800000> : vector<2048xf32>
    %reduce_min3A_233 = vector.multi_reduction <minimumf>, %add3A_217, %reduce_min3A_232 [1] : vector<2048x1024xf32> to vector<2048xf32>
    %reduce_sum3A_234 = vector.shape_cast %reduce_min3A_233 : vector<2048xf32> to vector<1x2048xf32>
    %reduce_sum3A_235 = arith.constant dense<0.000000e+00> : vector<1xf32>
    %reduce_sum3A_236 = vector.multi_reduction <add>, %reduce_sum3A_234, %reduce_sum3A_235 [1] : vector<1x2048xf32> to vector<1xf32>
    %reduce_sum3A_237 = vector.shape_cast %reduce_sum3A_236 : vector<1xf32> to vector<1x1xf32>
    %reduce_sum3A_238 = vector.extract %reduce_sum3A_237[0, 0] : f32 from vector<1x1xf32>
    %add3A_239 = arith.addf %add3A_199, %reduce_sum3A_238 : f32
    %get3A_240 = arith.constant 12 : index
    %get3A_241 = arith.constant 0 : index
    %get3A_242 = arith.constant 0 : index
    %get3A_243 = vector.load %arg0[%get3A_240, %get3A_241, %get3A_242] : memref<16x1024x64xf32, #tpu.memory_space<vmem>>, vector<2x1024x64xf32>
    %reshape3A_244 = vector.shape_cast %get3A_243 : vector<2x1024x64xf32> to vector<2048x64xf32>
    %mul3A_245 = arith.constant -2.000000e+00 : f32
    %mul3A_246 = vector.broadcast %mul3A_245 : f32 to vector<2048x64xf32>
    %mul3A_247 = arith.mulf %reshape3A_244, %mul3A_246 : vector<2048x64xf32>
    %dot_general3A_248 = arith.constant dense<0.000000e+00> : vector<2048x1024xf32>
    %dot_general3A_249 = tpu.matmul %mul3A_247, %get3A_1, %dot_general3A_248 {dimension_numbers = #tpu.dot_dimension_numbers<[1], [0], [0], [1], [0, 0, 1, 1], [], []>, transpose_lhs_hint = false} : vector<2048x64xf32>, vector<64x1024xf32>, vector<2048x1024xf32> -> vector<2048x1024xf32>
    %mul3A_250 = arith.mulf %reshape3A_244, %reshape3A_244 : vector<2048x64xf32>
    %reduce_sum3A_251 = arith.constant dense<0.000000e+00> : vector<2048xf32>
    %reduce_sum3A_252 = vector.multi_reduction <add>, %mul3A_250, %reduce_sum3A_251 [1] : vector<2048x64xf32> to vector<2048xf32>
    %broadcast_in_dim3A_253 = vector.shape_cast %reduce_sum3A_252 : vector<2048xf32> to vector<2048x1xf32>
    %add3A_254 = vector.broadcast %broadcast_in_dim3A_253 : vector<2048x1xf32> to vector<2048x1024xf32>
    %add3A_255 = arith.addf %add3A_254, %dot_general3A_249 : vector<2048x1024xf32>
    %add3A_256 = vector.broadcast %broadcast_in_dim3A : vector<1x1024xf32> to vector<2048x1024xf32>
    %add3A_257 = arith.addf %add3A_255, %add3A_256 : vector<2048x1024xf32>
    %argmin3A_258 = tpu.reduce_index %add3A_257 {axis = 1 : i32, kind = #tpu.reduction_kind<arg_min>} : vector<2048x1024xf32> -> vector<2048xi32>
    %broadcast_in_dim3A_259 = vector.shape_cast %argmin3A_258 : vector<2048xi32> to vector<2048x1xi32>
    %eq3A_260 = vector.broadcast %broadcast_in_dim3A_259 : vector<2048x1xi32> to vector<2048x1024xi32>
    %eq3A_261 = arith.cmpi eq, %iota3A, %eq3A_260 : vector<2048x1024xi32>
    %convert_element_type3A_262 = arith.extui %eq3A_261 : vector<2048x1024xi1> to vector<2048x1024xi32>
    %convert_element_type3A_263 = arith.sitofp %convert_element_type3A_262 : vector<2048x1024xi32> to vector<2048x1024xf32>
    %swap3A_264 = arith.constant 12288 : index
    %swap3A_265 = vector.load %arg2[%swap3A_264] : memref<16384xi32, #tpu.memory_space<vmem>>, vector<2048xi32>
    tpu.vector_store %arg2[%swap3A_264], %argmin3A_258 {strides = array<i32>} : memref<16384xi32, #tpu.memory_space<vmem>>, vector<2048xi32>,
    %broadcast_in_dim3A_266 = arith.constant 1.000000e+00 : f32
    %broadcast_in_dim3A_267 = vector.broadcast %broadcast_in_dim3A_266 : f32 to vector<1x2048xf32>
    %dot_general3A_268 = arith.constant dense<0.000000e+00> : vector<1x1024xf32>
    %dot_general3A_269 = tpu.matmul %broadcast_in_dim3A_267, %convert_element_type3A_263, %dot_general3A_268 {dimension_numbers = #tpu.dot_dimension_numbers<[1], [0], [0], [1], [0, 0, 1, 1], [], []>, transpose_lhs_hint = false} : vector<1x2048xf32>, vector<2048x1024xf32>, vector<1x1024xf32> -> vector<1x1024xf32>
    %squeeze3A_270 = vector.shape_cast %dot_general3A_269 : vector<1x1024xf32> to vector<1024xf32>
    %add3A_271 = arith.addf %add3A_231, %squeeze3A_270 : vector<1024xf32>
    %reduce_min3A_272 = arith.constant dense<0x7F800000> : vector<2048xf32>
    %reduce_min3A_273 = vector.multi_reduction <minimumf>, %add3A_257, %reduce_min3A_272 [1] : vector<2048x1024xf32> to vector<2048xf32>
    %reduce_sum3A_274 = vector.shape_cast %reduce_min3A_273 : vector<2048xf32> to vector<1x2048xf32>
    %reduce_sum3A_275 = arith.constant dense<0.000000e+00> : vector<1xf32>
    %reduce_sum3A_276 = vector.multi_reduction <add>, %reduce_sum3A_274, %reduce_sum3A_275 [1] : vector<1x2048xf32> to vector<1xf32>
    %reduce_sum3A_277 = vector.shape_cast %reduce_sum3A_276 : vector<1xf32> to vector<1x1xf32>
    %reduce_sum3A_278 = vector.extract %reduce_sum3A_277[0, 0] : f32 from vector<1x1xf32>
    %add3A_279 = arith.addf %add3A_239, %reduce_sum3A_278 : f32
    %get3A_280 = arith.constant 14 : index
    %get3A_281 = arith.constant 0 : index
    %get3A_282 = arith.constant 0 : index
    %get3A_283 = vector.load %arg0[%get3A_280, %get3A_281, %get3A_282] : memref<16x1024x64xf32, #tpu.memory_space<vmem>>, vector<2x1024x64xf32>
    %reshape3A_284 = vector.shape_cast %get3A_283 : vector<2x1024x64xf32> to vector<2048x64xf32>
    %mul3A_285 = arith.constant -2.000000e+00 : f32
    %mul3A_286 = vector.broadcast %mul3A_285 : f32 to vector<2048x64xf32>
    %mul3A_287 = arith.mulf %reshape3A_284, %mul3A_286 : vector<2048x64xf32>
    %dot_general3A_288 = arith.constant dense<0.000000e+00> : vector<2048x1024xf32>
    %dot_general3A_289 = tpu.matmul %mul3A_287, %get3A_1, %dot_general3A_288 {dimension_numbers = #tpu.dot_dimension_numbers<[1], [0], [0], [1], [0, 0, 1, 1], [], []>, transpose_lhs_hint = false} : vector<2048x64xf32>, vector<64x1024xf32>, vector<2048x1024xf32> -> vector<2048x1024xf32>
    %mul3A_290 = arith.mulf %reshape3A_284, %reshape3A_284 : vector<2048x64xf32>
    %reduce_sum3A_291 = arith.constant dense<0.000000e+00> : vector<2048xf32>
    %reduce_sum3A_292 = vector.multi_reduction <add>, %mul3A_290, %reduce_sum3A_291 [1] : vector<2048x64xf32> to vector<2048xf32>
    %broadcast_in_dim3A_293 = vector.shape_cast %reduce_sum3A_292 : vector<2048xf32> to vector<2048x1xf32>
    %add3A_294 = vector.broadcast %broadcast_in_dim3A_293 : vector<2048x1xf32> to vector<2048x1024xf32>
    %add3A_295 = arith.addf %add3A_294, %dot_general3A_289 : vector<2048x1024xf32>
    %add3A_296 = vector.broadcast %broadcast_in_dim3A : vector<1x1024xf32> to vector<2048x1024xf32>
    %add3A_297 = arith.addf %add3A_295, %add3A_296 : vector<2048x1024xf32>
    %argmin3A_298 = tpu.reduce_index %add3A_297 {axis = 1 : i32, kind = #tpu.reduction_kind<arg_min>} : vector<2048x1024xf32> -> vector<2048xi32>
    %broadcast_in_dim3A_299 = vector.shape_cast %argmin3A_298 : vector<2048xi32> to vector<2048x1xi32>
    %eq3A_300 = vector.broadcast %broadcast_in_dim3A_299 : vector<2048x1xi32> to vector<2048x1024xi32>
    %eq3A_301 = arith.cmpi eq, %iota3A, %eq3A_300 : vector<2048x1024xi32>
    %convert_element_type3A_302 = arith.extui %eq3A_301 : vector<2048x1024xi1> to vector<2048x1024xi32>
    %convert_element_type3A_303 = arith.sitofp %convert_element_type3A_302 : vector<2048x1024xi32> to vector<2048x1024xf32>
    %swap3A_304 = arith.constant 14336 : index
    %swap3A_305 = vector.load %arg2[%swap3A_304] : memref<16384xi32, #tpu.memory_space<vmem>>, vector<2048xi32>
    tpu.vector_store %arg2[%swap3A_304], %argmin3A_298 {strides = array<i32>} : memref<16384xi32, #tpu.memory_space<vmem>>, vector<2048xi32>,
    %broadcast_in_dim3A_306 = arith.constant 1.000000e+00 : f32
    %broadcast_in_dim3A_307 = vector.broadcast %broadcast_in_dim3A_306 : f32 to vector<1x2048xf32>
    %dot_general3A_308 = arith.constant dense<0.000000e+00> : vector<1x1024xf32>
    %dot_general3A_309 = tpu.matmul %broadcast_in_dim3A_307, %convert_element_type3A_303, %dot_general3A_308 {dimension_numbers = #tpu.dot_dimension_numbers<[1], [0], [0], [1], [0, 0, 1, 1], [], []>, transpose_lhs_hint = false} : vector<1x2048xf32>, vector<2048x1024xf32>, vector<1x1024xf32> -> vector<1x1024xf32>
    %squeeze3A_310 = vector.shape_cast %dot_general3A_309 : vector<1x1024xf32> to vector<1024xf32>
    %add3A_311 = arith.addf %add3A_271, %squeeze3A_310 : vector<1024xf32>
    %reduce_min3A_312 = arith.constant dense<0x7F800000> : vector<2048xf32>
    %reduce_min3A_313 = vector.multi_reduction <minimumf>, %add3A_297, %reduce_min3A_312 [1] : vector<2048x1024xf32> to vector<2048xf32>
    %reduce_sum3A_314 = vector.shape_cast %reduce_min3A_313 : vector<2048xf32> to vector<1x2048xf32>
    %reduce_sum3A_315 = arith.constant dense<0.000000e+00> : vector<1xf32>
    %reduce_sum3A_316 = vector.multi_reduction <add>, %reduce_sum3A_314, %reduce_sum3A_315 [1] : vector<1x2048xf32> to vector<1xf32>
    %reduce_sum3A_317 = vector.shape_cast %reduce_sum3A_316 : vector<1xf32> to vector<1x1xf32>
    %reduce_sum3A_318 = vector.extract %reduce_sum3A_317[0, 0] : f32 from vector<1x1xf32>
    %add3A_319 = arith.addf %add3A_279, %reduce_sum3A_318 : f32
    %div3A = arith.constant 0x49800000 : f32
    %div3A_320 = arith.divf %add3A_319, %div3A : f32
    %reshape3A_321 = vector.broadcast %div3A_320 : f32 to vector<1x1xf32>
    %swap3A_322 = arith.constant 0 : index
    %swap3A_323 = arith.constant 0 : index
    %swap3A_324 = vector.load %arg3[%swap3A_322, %swap3A_323] : memref<1x1xf32, #tpu.memory_space<vmem>>, vector<1x1xf32>
    tpu.vector_store %arg3[%swap3A_322, %swap3A_323], %reshape3A_321 {strides = array<i32>} : memref<1x1xf32, #tpu.memory_space<vmem>>, vector<1x1xf32>,
    %div3A_325 = arith.constant 1.638400e+04 : f32
    %div3A_326 = vector.broadcast %div3A_325 : f32 to vector<1024xf32>
    %div3A_327 = arith.divf %add3A_311, %div3A_326 : vector<1024xf32>
    %jit3A = arith.constant 1.000000e-07 : f32
    %max3A = vector.broadcast %jit3A : f32 to vector<1024xf32>
    %max3A_328 = arith.maximumf %max3A, %div3A_327 : vector<1024xf32>
    %log3A = math.log %max3A_328 : vector<1024xf32>
    %mul3A_329 = arith.mulf %div3A_327, %log3A : vector<1024xf32>
    %reduce_sum3A_330 = vector.shape_cast %mul3A_329 : vector<1024xf32> to vector<1x1024xf32>
    %reduce_sum3A_331 = arith.constant dense<0.000000e+00> : vector<1xf32>
    %reduce_sum3A_332 = vector.multi_reduction <add>, %reduce_sum3A_330, %reduce_sum3A_331 [1] : vector<1x1024xf32> to vector<1xf32>
    %reduce_sum3A_333 = vector.shape_cast %reduce_sum3A_332 : vector<1xf32> to vector<1x1xf32>
    %reduce_sum3A_334 = vector.extract %reduce_sum3A_333[0, 0] : f32 from vector<1x1xf32>
    %broadcast_in_dim3A_335 = vector.broadcast %reduce_sum3A_334 : f32 to vector<1xf32>
    %neg3A = arith.constant 0.000000e+00 : f32
    %neg3A_336 = vector.broadcast %neg3A : f32 to vector<1xf32>
    %neg3A_337 = arith.subf %neg3A_336, %broadcast_in_dim3A_335 : vector<1xf32>
    %exp3A = math.exp %neg3A_337 : vector<1xf32>
    %reshape3A_338 = vector.shape_cast %exp3A : vector<1xf32> to vector<1x1xf32>
    %swap3A_339 = arith.constant 0 : index
    %swap3A_340 = arith.constant 0 : index
    %swap3A_341 = vector.load %arg4[%swap3A_339, %swap3A_340] : memref<1x1xf32, #tpu.memory_space<vmem>>, vector<1x1xf32>
    tpu.vector_store %arg4[%swap3A_339, %swap3A_340], %reshape3A_338 {strides = array<i32>} : memref<1x1xf32, #tpu.memory_space<vmem>>, vector<1x1xf32>,
    return
  }
}

</mosaic_0001>

<sc_bundles>
// kernel: kernel.4.cloned.1.call-start
scs
__scs_entry_jumppad:
0x0: {  	(pc) =	sbr.rel $0x88, $3  }
0x1: {  	(tag) =	ssettag $0x0;
	lr =	simm.s32 $0x1  }
0x2: {  	[smem:$0x3F9F] =	sst lr;
	_ =	strace $0xD0000000  }
0x3: {  	_ = 	snop  }
0x4: {  	_ = 	snop  }
0x5: {  	_ = 	snop  }
0x6: {  	_ = 	snop  }
0x7: {  	_ = 	snop  }
__scs_overlays_trampoline_lowered:
0x8: {  	[smem:$0x3FAE] =	sst s0  }
0x9: {  	[smem:$0x3FAF] =	sst s1  }
0xa: {  	[smem:$0x3FB0] =	sst s2  }
0xb: {  	[smem:$0x3FB1] =	sst s3  }
0xc: {  	[smem:$0x3FB2] =	sst s4  }
0xd: {  	[smem:$0x3FB3] =	sst s5  }
0xe: {  	[smem:$0x3FB4] =	sst s6  }
0xf: {  	[smem:$0x3FB5] =	sst s7  }
0x10: {  	[smem:$0x3FB6] =	sst s8  }
0x11: {  	[smem:$0x3FB7] =	sst s9;
	s0 =	simm.s32 @!p0 $0x0  }
0x12: {  	s1 =	sld [smem:$0x3F9D];
	s0 =	simm.s32 @p0 $0x1  }
0x13: {  	[smem:$0x3FB8] =	sst s0;
	s0 =	simm.s32 @!p1 $0x0  }
0x14: {  	s2 =	sld [smem:$0x3F9C];
	s0 =	simm.s32 @p1 $0x1  }
0x15: {  	[smem:$0x3FB9] =	sst s0;
	s0 =	simm.s32 @!p2 $0x0  }
0x16: {  	s3 =	sld [smem:$0x3FDB];
	s0 =	simm.s32 @p2 $0x1  }
0x17: {  	s4 =	simm.s32 $0x1BF5;
	[smem:$0x3FBB] =	sst s0  }
0x18: {  	s0 =	sld [smem:$0x3F9E];
	_ =	swait.ge [sflag:s4], $0x0  }
0x19: {  	s7 =	sld [smem:$0x3F9F]  }
0x1a: {  	s8 =	sadd.s32 $0xFFFFE003, lr  }
0x1b: {  	s9 =	sadd.s32 $0xFFFFFEF7, lr;
	s5 =	simm.s32 $0xFFFFFFFF;
	p2 =	slt.u32 s8, $0xFFFFF086  }
0x1c: {  	p1 =	slt.u32 s9, $0xF7A;
	s5 =	simm.s32 @!p2 $0x0  }
0x1d: {  	s5 =	simm.s32 @p1 $0x1;
	p0 =	seq.s32 s7, s2  }
0x1e: {  	s7 =	smul.u32 @!p0 $0xF7A, s2;
	p2 =	seq.s32 @!p0 s5, $0x0  }
0x1f: {  	s9 =	smul.u32 $0xF7A, s1;
	s8 =	simm.s32 @!p0 $0x1BF5;
	p2 =	por !p2, p0  }
0x20: {  	[sflag:s8] =	ssyncset.s32 @!p0 $0xFFFFF086;
	s6 =	sadd.s32 @!p0 s3, s7;
	s7 =	simm.s32 @!p0 $0x108  }
0x21: {  	s3 =	sadd.s32 s3, s9;
	s6 =	sadd.s32 @!p0 $0x88, s6;
	s7 =	simm.s32 @p2 $0x1082  }
0x22: {  	[simem:s7], [sflag:s8] =	dma.local @!p0 [hbm:s6], $0xF7A  }
0x23: {  	s9 =	sor.u32 $0xD0000000, s2;
	s6 =	simm.s32 $0x108;
	_ =	swait.ge @!p0 [sflag:s8], $0x0  }
0x24: {  	s3 =	sadd.s32 $0x88, s3;
	s6 =	simm.s32 @!p1 $0x1082;
	[sflag:s4] =	ssyncset.s32 $0xFFFFF086  }
0x25: {  	[simem:s6], [sflag:s4] =	dma.local [hbm:s3], $0xF7A  }
0x26: {  	[smem:$0x3F9F] =	sst s1;
	(tag) =	ssettag s2;
	_ =	strace s9  }
0x27: {  	s1 =	sld [smem:$0x3FAF]  }
0x28: {  	s2 =	sld [smem:$0x3FB0]  }
0x29: {  	s4 =	sld [smem:$0x3FB2]  }
0x2a: {  	p0 =	seq.s32 s5, $0x0;
	s5 =	sld [smem:$0x3FB3]  }
0x2b: {  	s6 =	sld [smem:$0x3FB4]  }
0x2c: {  	s7 =	sld [smem:$0x3FB5]  }
0x2d: {  	s3 =	simm.s32 $0x108;
	s8 =	sld [smem:$0x3FB6]  }
0x2e: {  	s3 =	simm.s32 @!p0 $0x1082;
	s9 =	sld [smem:$0x3FB7]  }
0x2f: {  	lr =	sadd.s32 s0, s3;
	s0 =	sld [smem:$0x3FAE]  }
0x30: {  	s3 =	sld [smem:$0x3FB1]  }
0x31: {  	[smem:$0x3FBA] =	sst s10  }
0x32: {  	s10 =	sld [smem:$0x3FB8];
	_ =	sdelay $0x3  }
0x33: {  	p0 =	seq.s32 s10, $0x1;
	s10 =	sld [smem:$0x3FBA];
	_ =	sdelay $0x3  }
0x34: {  	[smem:$0x3FBA] =	sst s10  }
0x35: {  	s10 =	sld [smem:$0x3FB9];
	_ =	sdelay $0x3  }
0x36: {  	p1 =	seq.s32 s10, $0x1;
	s10 =	sld [smem:$0x3FBA];
	_ =	sdelay $0x3  }
0x37: {  	[smem:$0x3FBA] =	sst s10  }
0x38: {  	s10 =	sld [smem:$0x3FBB]  }
0x39: {  	_ = 	snop;
	(pc) =	sbr.ind lr, $3  }
0x3a: {  	_ = 	snop  }
0x3b: {  	_ = 	snop  }
0x3c: {  	p2 =	seq.s32 s10, $0x1;
	s10 =	sld [smem:$0x3FBA]  }
0x3d: {  	_ =	shalt  }
0x3e: {  	_ =	shalt  }
0x3f: {  	_ =	shalt  }
0x40: {  	_ =	shalt  }
0x41: {  	_ =	shalt  }
0x42: {  	_ =	shalt  }
0x43: {  	_ =	shalt  }
0x44: {  	_ =	shalt  }
0x45: {  	_ =	shalt  }
0x46: {  	_ =	shalt  }
0x47: {  	_ =	shalt  }
0x48: {  	_ =	shalt  }
0x49: {  	_ =	shalt  }
0x4a: {  	_ =	shalt  }
0x4b: {  	_ =	shalt  }
0x4c: {  	_ =	shalt  }
0x4d: {  	_ =	shalt  }
0x4e: {  	_ =	shalt  }
0x4f: {  	_ =	shalt  }
0x50: {  	_ =	shalt  }
0x51: {  	_ =	shalt  }
0x52: {  	_ =	shalt  }
0x53: {  	_ =	shalt  }
0x54: {  	_ =	shalt  }
0x55: {  	_ =	shalt  }
0x56: {  	_ =	shalt  }
0x57: {  	_ =	shalt  }
0x58: {  	_ =	shalt  }
0x59: {  	_ =	shalt  }
0x5a: {  	_ =	shalt  }
0x5b: {  	_ =	shalt  }
0x5c: {  	_ =	shalt  }
0x5d: {  	_ =	shalt  }
0x5e: {  	_ =	shalt  }
0x5f: {  	_ =	shalt  }
0x60: {  	_ =	shalt  }
0x61: {  	_ =	shalt  }
0x62: {  	_ =	shalt  }
0x63: {  	_ =	shalt  }
0x64: {  	_ =	shalt  }
0x65: {  	_ =	shalt  }
0x66: {  	_ =	shalt  }
0x67: {  	_ =	shalt  }
0x68: {  	_ =	shalt  }
0x69: {  	_ =	shalt  }
0x6a: {  	_ =	shalt  }
0x6b: {  	_ =	shalt  }
0x6c: {  	_ =	shalt  }
0x6d: {  	_ =	shalt  }
0x6e: {  	_ =	shalt  }
0x6f: {  	_ =	shalt  }
0x70: {  	_ =	shalt  }
0x71: {  	_ =	shalt  }
0x72: {  	_ =	shalt  }
0x73: {  	_ =	shalt  }
0x74: {  	_ =	shalt  }
0x75: {  	_ =	shalt  }
0x76: {  	_ =	shalt  }
0x77: {  	_ =	shalt  }
0x78: {  	_ =	shalt  }
0x79: {  	_ =	shalt  }
0x7a: {  	_ =	shalt  }
0x7b: {  	_ =	shalt  }
0x7c: {  	_ =	shalt  }
0x7d: {  	_ =	shalt  }
0x7e: {  	_ =	shalt  }
0x7f: {  	_ =	shalt  }
0x80: {  	_ =	shalt  }
0x81: {  	_ =	shalt  }
0x82: {  	_ =	shalt  }
0x83: {  	_ =	shalt  }
0x84: {  	_ =	shalt  }
0x85: {  	_ =	shalt  }
0x86: {  	_ =	shalt  }
0x87: {  	_ =	shalt  }
.Lfunc_end0:
.L_simem_size_0:
called_computation_lowered:
.L_overlay_start_0:
0x88: {  	s2 =	sld [smem:$0x3FD9]  }
0x89: {  	s3 =	sld [smem:$0x3FFE];
	_ =	sdelay $0x1  }
0x8a: {  	s1 =	srdreg.scid  }
0x8b: {  	s0 =	sand.u32 $0x1, s1  }
0x8c: {  	s14 =	sshll.u32 s0, $0xA;
	s2 =	sadd.s32 s3, s2  }
0x8d: {  	s2 =	sadd.s32 s2, s14  }
0x8e: {  	[smem:$0x3FC6] =	sst s2  }
0x8f: {  	_ = 	snop  }
0x90: {  	s2 =	sld [smem:$0x3FD0];
	_ =	sdelay $0x2  }
0x91: {  	s15 =	simm.s32 $0xA;
	s4 =	simm.s32 $0x10  }
0x92: {  	[smem:s4], [sflag:s15] =	dma.local [hbm:s2], $0x1  }
0x93: {  	_ =	swait.eq [sflag:s15], $0x1  }
0x94: {  	[sflag:s15] =	ssyncset.done $0x0  }
0x95: {  	[sflag:s15] =	ssyncadd.s32 $0xFFFFFFFF  }
0x96: {  	s16 =	sld [smem:$0x10];
	(tm) =	ssettm $0x1  }
0x97: {  	s17 =	sld [smem:$0x3FFB];
	_ =	sdelay $0x3  }
0x98: {  	_ =	strace s17  }
0x99: {  	s3 =	sld [smem:$0x3FFC];
	_ =	sdelay $0x3  }
0x9a: {  	_ =	strace s3  }
0x9b: {  	s3 =	sld [smem:$0x3FFD];
	_ =	sdelay $0x3  }
0x9c: {  	_ =	strace s3  }
0x9d: {  	_ =	strace $0x8FFFFFFF  }
0x9e: {  	s18 =	sld [smem:$0x3FDB];
	_ =	sdelay $0x1  }
0x9f: {  	s19 =	simm.s32 $_scs_section_size  }
0xa0: {  	s5 =	simm.s32 $_size__tile_overlayer_lowered;
	s6 =	simm.s32 $_tile_overlayer_lowered  }
0xa1: {  	s22 =	simm.s32 $0x1BFF;
	s21 =	sshll.u32 s6, $0x1;
	s3 =	sadd.s32 s19, s18  }
0xa2: {  	s7 =	simm.s32 $0x0;
	s20 =	sshll.u32 s5, $0x1;
	s5 =	sadd.s32 s21, s3  }
0xa3: {  	[timem:s7], [sflag:s22] =	dma.local [hbm:s5], s20  }
0xa4: {  	_ =	swait.ge [sflag:s22], s20  }
0xa5: {  	s4 =	ssub.s32 $0x0, s20;
	[sflag:s22] =	ssyncset.done $0x0  }
0xa6: {  	[sflag:s22] =	ssyncadd.s32 s4;
	_ =	sdelay $0x1  }
0xa7: {  	s23 =	simm.s32 $0x1B8B  }
0xa8: {  	_ =	swait.ge [sflag:s23], $0x1  }
0xa9: {  	[sflag:s23] =	ssyncset.done $0x0  }
0xaa: {  	s25 =	simm.s32 $0x1B8E;
	s24 =	sld [smem:$0x3FFE];
	[sflag:s23] =	ssyncadd.s32 $0xFFFFFFFF  }
0xab: {  	s26 =	simm.s32 $execute0_lowered;
	[smem:$0x3FD2] =	sst s25  }
0xac: {  	s5 =	sshll.u32 s26, $0x1;
	_ =	strace $0x80000046;
	[dreg:$0x1] =	wrdreg $0xFFFFFFFF  }
0xad: {  	s28 =	simm.s32 $_size_execute0_lowered;
	s3 =	sadd.s32 s3, s5;
	[dreg:$0x0] =	wrdreg $0x0  }
0xae: {  	s5 =	sshll.u32 s28, $0x1;
	[dreg:$0x2] =	wrdreg s3  }
0xaf: {  	[dreg:$0x3] =	wrdreg s5  }
0xb0: {  	[dreg:$0x4] =	wrdreg $0xC0  }
0xb1: {  	_ =	task [dreg:s7], $0x5FFFF  }
0xb2: {  	[dreg:$0x1] =	wrdreg $0xFFFFFFFF  }
0xb3: {  	[dreg:$0x0] =	wrdreg $0x60  }
0xb4: {  	[dreg:$0x2] =	wrdreg s24  }
0xb5: {  	[dreg:$0x3] =	wrdreg s16  }
0xb6: {  	[dreg:$0x4] =	wrdreg $0x9  }
0xb7: {  	_ =	task.clear_ibuf [dreg:s7], $0x5FFFF;
	_ =	strace $0x90000046  }
0xb8: {  	s29 =	simm.s32 $0x9;
	_ =	strace $0x80000048  }
0xb9: {  	_ =	swait.ge [sflag:s29], $0x1  }
0xba: {  	[sflag:s29] =	ssyncadd.s32 $0xFFFFFFFF  }
0xbb: {  	_ =	strace $0x90000048  }
0xbc: {  	_ =	sfence  }
0xbd: {  	s30 =	sld [smem:$0x0];
	_ =	sdelay $0x2  }
0xbe: {  	s31 =	sshll.u32 s1, $0xD;
	s1 =	sshrl.u32 s1, $0x2  }
0xbf: {  	s3 =	sand.u32 $0x4000, s31;
	s1 =	sadd.s32 s1, s30  }
0xc0: {  	s0 =	sor.u32 s3, s0;
	s1 =	sshll.u32 s1, $0x11  }
0xc1: {  	s0 =	sor.u32 s1, s0  }
0xc2: {  	s0 =	sadd.s32 $0x8F2B, s0  }
0xc3: {  	[sflag:s0] =	ssyncadd.remote.s32 $0x1  }
0xc4: {  	_ =	sfence.sel $0xFFFF  }
0xc5: {  	[dreg:$0x0] =	wrdreg $0xFFFFFFFF;
	(pc) =	sbr.abs _section_cstart, $3  }
0xc6: {  	[dreg:$0x1] =	wrdreg $0xFFFFFFFF  }
0xc7: {  	_ =	task.clear_ibuf [dreg:s7], $0x2FFFF;
	_ =	strace $0x9FFFFFFF  }
0xc8: {  	(tm) =	ssettm $0x7FFFFFFF  }
0xc9: {  	_ =	shalt  }
tec
execute0_lowered:
.L_overlay_start_1:
0x0: {  	(tag) =	ssettag $0x1  }
0x1: {  	s1 =	srdreg.scid  }
0x2: {  	s0 =	stileid.u32;
	s6 =	sand.u32 $0x1, s1  }
0x3: {  	s5 =	rddreg [dreg:$0x0];
	s30 =	sshll.u32 s0, $0xA;
	s2 =	sshll.u32 s6, $0x9  }
0x4: {  	s8 =	rddreg [dreg:$0x1];
	s9 =	sor.u32 s2, s30  }
0x5: {  	s1 =	rddreg [dreg:$0x2];
	s2 =	simm.s32 $0x0;
	s3 =	sshrl.u32 s9, $0x3  }
0x6: {  	s10 =	ssub.s32 $0x2, s6;
	[smem:$0x7FF] =	sst s2;
	s3 =	sadd.s32 s3, s5  }
0x7: {  	_ =	strace $0x80000047;
	s4 =	sadd.s32 $0xC00, s3;
	s3 =	simm.s32 $0x2  }
0x8: {  	[tilespmem:s2], [sflag:$0x2] =	stream.linear.gather [hbm4b:s4+s2], $0x200, $0x38;
	[tilespmem:$0x8200] =	vst v63  }
0x9: {  	s7 =	simm.s32 $0x1;
	s11 =	sshrl.u32 s10, $0x1;
	_ =	swait.ge [sflag:s3], $0x200  }
0xa: {  	s6 =	simm.s32 $0x200;
	s10 =	ssub.s32 s10, s11;
	[sflag:s3] =	ssyncset.done $0x0  }
0xb: {  	s5 =	sadd.s32 $0x1400, s5;
	s31 =	smax.u32 s10, $0x1;
	[sflag:s3] =	ssyncadd.s32 $0xFFFFFE00  }
0xc: {  	[tilespmem:s6], [sflag:$0x1] =	stream.indirect.gather [hbm4b:s5+s6], $0x40, s2, s6, $0xb8;
	[tilespmem:$0x8200] =	vst v63  }
0xd: {  	p0 =	sne.s32 s31, $0x1;
	_ =	swait.ge [sflag:s7], $0x8000  }
.Ltmp0:
0xe: {  	s9 =	sshll.u32 s9, $0x3;
	[sflag:s7] =	ssyncset.done $0x0;
	(pc) =	sbr.rel @!p0 .LBB2_2-.Ltmp0, $4  }
0xf: {  	s8 =	sadd.s32 s8, s9;
	[sflag:s7] =	ssyncadd.s32 $0xFFFF8000  }
0x10: {  	[hbm4b:s8+s2] =	stream.linear.scatter [tilespmem:s6], [sflag:$0x2], $0x8000, $0x38;
	[tilespmem:$0x8200] =	vst v63  }
0x11: {  	_ =	swait.ge [sflag:s3], $0x8000  }
0x12: {  	s9 =	sadd.s32 $0xFFFFFFFF, s31;
	[sflag:s3] =	ssyncset.done $0x0  }
.LBB2_1:
0x13: {  	p0 =	sne.s32 s9, $0x1;
	s9 =	sadd.s32 $0xFFFFFFFF, s9;
	[sflag:s3] =	ssyncadd.s32 $0xFFFF8000  }
0x14: {  	[tilespmem:s2], [sflag:$0x2] =	stream.linear.gather [hbm4b:s4+s2], $0x200, $0x38;
	[tilespmem:$0x8200] =	vst v63  }
0x15: {  	_ =	swait.ge [sflag:s3], $0x200  }
0x16: {  	[sflag:s3] =	ssyncset.done $0x0  }
0x17: {  	[sflag:s3] =	ssyncadd.s32 $0xFFFFFE00  }
0x18: {  	[tilespmem:s6], [sflag:$0x1] =	stream.indirect.gather [hbm4b:s5+s6], $0x40, s2, s6, $0xb8;
	[tilespmem:$0x8200] =	vst v63  }
0x19: {  	_ =	swait.ge [sflag:s7], $0x8000  }
.Ltmp1:
0x1a: {  	[sflag:s7] =	ssyncset.done $0x0;
	(pc) =	sbr.rel @p0 .LBB2_1-.Ltmp1, $4  }
0x1b: {  	[sflag:s7] =	ssyncadd.s32 $0xFFFF8000  }
0x1c: {  	[hbm4b:s8+s2] =	stream.linear.scatter [tilespmem:s6], [sflag:$0x2], $0x8000, $0x38;
	[tilespmem:$0x8200] =	vst v63  }
0x1d: {  	_ =	swait.ge [sflag:s3], $0x8000  }
0x1e: {  	[sflag:s3] =	ssyncset.done $0x0  }
.LBB2_2:
0x1f: {  	[sflag:s3] =	ssyncadd.s32 $0xFFFF8000  }
0x20: {  	_ =	sfence.sel $0x180000  }
0x21: {  	[bflag:$0x0] =	sbarrier.arrive $0xFFFF  }
0x22: {  	p0 =	sne.s32 s0, $0x0;
	_ =	strace $0x90000047  }
0x23: {  	s0 =	sadd.s32 @!p0 $0x100000, s1;
	[bflag:$0x2] =	sbarrier.arrive $0xFFFF  }
0x24: {  	[sflag:s0] =	ssyncadd.tile.s32 @!p0 $0x1;
	_ =	shalt  }
.Lfunc_end2:
_tile_overlayer_lowered:
.L_overlay_start_2:
0x25: {  	(tag) =	ssettag $0x2  }
0x26: {  	s0 =	rddreg [dreg:$0x0];
	s2 =	stileid.u32  }
0x27: {  	s1 =	rddreg [dreg:$0x1];
	p0 =	sne.s32 s2, $0x0  }
0x28: {  	s3 =	rddreg [dreg:$0x2];
	[bflag:$0x3] =	sbarrier.arrive $0xFFFF;
	s2 =	simm.s32 @!p0 $0x1C02  }
0x29: {  	[timem:s3], [sflag:s2] =	dma.local @!p0 [hbm:s0], s1  }
0x2a: {  	s0 =	simm.s32 @!p0 $0x2  }
0x2b: {  	_ =	swait.ge @!p0 [sflag:s0], s1  }
0x2c: {  	s1 =	ssub.s32 @!p0 $0x0, s1;
	[sflag:s0] =	ssyncset.done @!p0 $0x0  }
0x2d: {  	[sflag:s0] =	ssyncadd.s32 @!p0 s1  }
0x2e: {  	[bflag:$0x3] =	sbarrier.arrive $0xFFFF  }
0x2f: {  	_ =	shalt  }

</sc_bundles>
